<compile_context>
chip_gen: v7x
topology: tpu7x:2x2x1
jax: 0.10.2.dev20260603
libtpu: 0.0.44.dev20260713+nightly
codegen_flags: <defaults>
</compile_context>

<pallas_src>
import functools
import math

import jax
import jax.numpy as jnp
from jax import lax
from jax.experimental import pallas as pl
from jax.experimental.pallas import tpu as pltpu
from jax.experimental.pallas import tpu_sc as plsc

_LOG_SLOPE = math.log(0.001)
_N = 256
_ROWS = 16384
_COLS = 512
_LANES = 16
_NWORKERS = 16
_RPW = _ROWS // _NWORKERS
_BLK_ROWS = 4096


def _logd_sc_body(s_hbm, d_hbm, sv, dv, sem_d):
    wid = lax.axis_index("s")
    base = wid * _RPW

    pltpu.sync_copy(s_hbm, sv)
    acc = jnp.zeros((_LANES,), jnp.float32)
    for k in range(_N // _LANES):
        s = sv[pl.ds(k * _LANES, _LANES)]
        acc = acc + s / (1.0 + jnp.abs(s * (1.0 / _LOG_SLOPE)))
    total = acc[0]
    for i in range(1, _LANES):
        total = total + acc[i]

    dvec = jnp.full((_LANES,), total, dtype=jnp.float32)

    def fill(i, _):
        dv[pl.ds(i * _LANES, _LANES)] = dvec
        return 0
    lax.fori_loop(0, _RPW // _LANES, fill, 0)
    pltpu.make_async_copy(dv, d_hbm.at[pl.ds(base, _RPW)], sem_d).start()
    pltpu.make_async_copy(dv, d_hbm.at[pl.ds(base, _RPW)], sem_d).wait()


_logd_sc = functools.partial(
    pl.kernel,
    out_type=jax.ShapeDtypeStruct((_ROWS,), jnp.float32),
    mesh=plsc.VectorSubcoreMesh(core_axis_name="c", subcore_axis_name="s",
                                num_cores=1, num_subcores=_NWORKERS),
    scratch_types=[
        pltpu.VMEM((_N,), jnp.float32),
        pltpu.VMEM((_RPW,), jnp.float32),
        pltpu.SemaphoreType.DMA,
    ],
)(_logd_sc_body)


def _affine_tc_body(u_ref, s_ref, t_ref, x_ref):
    s = s_ref[0, :]
    logs = s / (1.0 + jnp.abs(s * (1.0 / _LOG_SLOPE)))
    scale = jnp.exp(logs)
    x_ref[:, :_N] = u_ref[:, :_N] * scale[None, :] + t_ref[0, :][None, :]
    x_ref[:, _N:] = u_ref[:, _N:]


@jax.jit
def kernel(u, un_s, t):
    x = pl.pallas_call(
        _affine_tc_body,
        grid=(_ROWS // _BLK_ROWS,),
        in_specs=[
            pl.BlockSpec((_BLK_ROWS, _COLS), lambda i: (i, 0)),
            pl.BlockSpec((1, _N), lambda i: (0, 0)),
            pl.BlockSpec((1, _N), lambda i: (0, 0)),
        ],
        out_specs=pl.BlockSpec((_BLK_ROWS, _COLS), lambda i: (i, 0)),
        out_shape=jax.ShapeDtypeStruct((_ROWS, _COLS), jnp.float32),
    )(u, un_s.reshape(1, _N), t.reshape(1, _N))
    logd = _logd_sc(un_s)
    return (x, logd)

# --- scband reference (transcript-rebuilt; emitter-appended) ---
"""Pipeline reference for scband-causal-aflayer-16810501997241 (READ-ONLY COPY).

The authoritative reference and input builder live on the scoring server;
editing this copy changes nothing except your own understanding.
"""

import jax, jax.numpy as jnp
import numpy as np

NODES = np.arange(256)
SLOPE = 0.001

def setup_inputs(seed: int = 0) -> dict:
    key = jax.random.key(seed)
    k1, k2, k3 = jax.random.split(key, 3)
    u = jax.random.normal(k1, (16384, 512), dtype=jnp.float32)
    un_s = 0.1 * jax.random.normal(k2, (256,), dtype=jnp.float32)
    t = 0.1 * jax.random.normal(k3, (256,), dtype=jnp.float32)
    return {"u": u, "un_s": un_s, "t": t}

def reference(u, un_s, t):
    idx = jnp.asarray(NODES, dtype=jnp.int32)
    logs = un_s / (1.0 + jnp.abs(un_s / np.log(SLOPE)))
    gathered = jnp.take(u, idx, axis=1)
    updated = gathered * jnp.exp(logs) + t
    x = u.at[:, idx].set(updated)
    logd = jnp.repeat(jnp.sum(logs), u.shape[0])
    return (x, logd)

if __name__ == "__main__":
    import jax
    _d = setup_inputs()
    print(jax.jit(kernel)(*tuple(_d.values())))

</pallas_src>

<mosaic_0001>
#map = affine_map<(d0, d1) -> (0)>
module attributes {stable_mosaic.version = 14 : i64} {
  func.func @_logd_sc_body(%arg0: i32, %arg1: i32, %arg2: memref<256xf32, #tpu.memory_space<hbm>>, %arg3: memref<16384xf32, #tpu.memory_space<hbm>>, %arg4: memref<256xf32, #tpu.memory_space<vmem>>, %arg5: memref<1024xf32, #tpu.memory_space<vmem>>, %arg6: memref<!tpu.dma_semaphore, #tpu.memory_space<semaphore_mem>>) attributes {dimension_semantics = [#tpu.dimension_semantics<core_parallel>, #tpu.dimension_semantics<subcore_parallel>], iteration_bounds = array<i64: 1, 16>, scalar_prefetch = 0 : i64, scratch_operands = 3 : i64, tpu.core_type = #tpu.core_type<sc_vector_subcore>, window_params = [{transform_indices = #map}, {transform_indices = #map}]} {
    %mul3A = arith.constant 1024 : i32
    %mul3A_0 = arith.muli %arg1, %mul3A : i32
    "tpu.region"() ({
      %run_scoped3A = tpu.sem_alloc : memref<!tpu.dma_semaphore, #tpu.memory_space<semaphore_mem>>
      tpu.enqueue_dma source(%arg2 : memref<256xf32, #tpu.memory_space<hbm>>) target(%arg4 : memref<256xf32, #tpu.memory_space<vmem>>) target_semaphore(%run_scoped3A : memref<!tpu.dma_semaphore, #tpu.memory_space<semaphore_mem>>)
      tpu.wait_dma2 semaphore(%run_scoped3A : memref<!tpu.dma_semaphore, #tpu.memory_space<semaphore_mem>>) src(%arg2 : memref<256xf32, #tpu.memory_space<hbm>>) dst(%arg4 : memref<256xf32, #tpu.memory_space<vmem>>)
      tpu.yield
    }) : () -> ()
    %broadcast_in_dim3A = arith.constant 0.000000e+00 : f32
    %broadcast_in_dim3A_1 = vector.broadcast %broadcast_in_dim3A : f32 to vector<16xf32>
    %get3A = arith.constant 0 : index
    %get3A_2 = tpu.vector_load %arg4[%get3A] {strides = array<i32>} : memref<256xf32, #tpu.memory_space<vmem>>, vector<16xf32>,
    %get3A_3 = vector.shape_cast %get3A_2 : vector<16xf32> to vector<16xf32>
    %mul3A_4 = arith.constant -0.144764826 : f32
    %mul3A_5 = vector.broadcast %mul3A_4 : f32 to vector<16xf32>
    %mul3A_6 = arith.mulf %get3A_3, %mul3A_5 : vector<16xf32>
    %abs3A = math.absf %mul3A_6 : vector<16xf32>
    %add3A = arith.constant 1.000000e+00 : f32
    %add3A_7 = vector.broadcast %add3A : f32 to vector<16xf32>
    %add3A_8 = arith.addf %add3A_7, %abs3A : vector<16xf32>
    %div3A = arith.divf %get3A_3, %add3A_8 : vector<16xf32>
    %add3A_9 = arith.addf %broadcast_in_dim3A_1, %div3A : vector<16xf32>
    %get3A_10 = arith.constant 16 : index
    %get3A_11 = tpu.vector_load %arg4[%get3A_10] {strides = array<i32>} : memref<256xf32, #tpu.memory_space<vmem>>, vector<16xf32>,
    %get3A_12 = vector.shape_cast %get3A_11 : vector<16xf32> to vector<16xf32>
    %mul3A_13 = arith.constant -0.144764826 : f32
    %mul3A_14 = vector.broadcast %mul3A_13 : f32 to vector<16xf32>
    %mul3A_15 = arith.mulf %get3A_12, %mul3A_14 : vector<16xf32>
    %abs3A_16 = math.absf %mul3A_15 : vector<16xf32>
    %add3A_17 = arith.constant 1.000000e+00 : f32
    %add3A_18 = vector.broadcast %add3A_17 : f32 to vector<16xf32>
    %add3A_19 = arith.addf %add3A_18, %abs3A_16 : vector<16xf32>
    %div3A_20 = arith.divf %get3A_12, %add3A_19 : vector<16xf32>
    %add3A_21 = arith.addf %add3A_9, %div3A_20 : vector<16xf32>
    %get3A_22 = arith.constant 32 : index
    %get3A_23 = tpu.vector_load %arg4[%get3A_22] {strides = array<i32>} : memref<256xf32, #tpu.memory_space<vmem>>, vector<16xf32>,
    %get3A_24 = vector.shape_cast %get3A_23 : vector<16xf32> to vector<16xf32>
    %mul3A_25 = arith.constant -0.144764826 : f32
    %mul3A_26 = vector.broadcast %mul3A_25 : f32 to vector<16xf32>
    %mul3A_27 = arith.mulf %get3A_24, %mul3A_26 : vector<16xf32>
    %abs3A_28 = math.absf %mul3A_27 : vector<16xf32>
    %add3A_29 = arith.constant 1.000000e+00 : f32
    %add3A_30 = vector.broadcast %add3A_29 : f32 to vector<16xf32>
    %add3A_31 = arith.addf %add3A_30, %abs3A_28 : vector<16xf32>
    %div3A_32 = arith.divf %get3A_24, %add3A_31 : vector<16xf32>
    %add3A_33 = arith.addf %add3A_21, %div3A_32 : vector<16xf32>
    %get3A_34 = arith.constant 48 : index
    %get3A_35 = tpu.vector_load %arg4[%get3A_34] {strides = array<i32>} : memref<256xf32, #tpu.memory_space<vmem>>, vector<16xf32>,
    %get3A_36 = vector.shape_cast %get3A_35 : vector<16xf32> to vector<16xf32>
    %mul3A_37 = arith.constant -0.144764826 : f32
    %mul3A_38 = vector.broadcast %mul3A_37 : f32 to vector<16xf32>
    %mul3A_39 = arith.mulf %get3A_36, %mul3A_38 : vector<16xf32>
    %abs3A_40 = math.absf %mul3A_39 : vector<16xf32>
    %add3A_41 = arith.constant 1.000000e+00 : f32
    %add3A_42 = vector.broadcast %add3A_41 : f32 to vector<16xf32>
    %add3A_43 = arith.addf %add3A_42, %abs3A_40 : vector<16xf32>
    %div3A_44 = arith.divf %get3A_36, %add3A_43 : vector<16xf32>
    %add3A_45 = arith.addf %add3A_33, %div3A_44 : vector<16xf32>
    %get3A_46 = arith.constant 64 : index
    %get3A_47 = tpu.vector_load %arg4[%get3A_46] {strides = array<i32>} : memref<256xf32, #tpu.memory_space<vmem>>, vector<16xf32>,
    %get3A_48 = vector.shape_cast %get3A_47 : vector<16xf32> to vector<16xf32>
    %mul3A_49 = arith.constant -0.144764826 : f32
    %mul3A_50 = vector.broadcast %mul3A_49 : f32 to vector<16xf32>
    %mul3A_51 = arith.mulf %get3A_48, %mul3A_50 : vector<16xf32>
    %abs3A_52 = math.absf %mul3A_51 : vector<16xf32>
    %add3A_53 = arith.constant 1.000000e+00 : f32
    %add3A_54 = vector.broadcast %add3A_53 : f32 to vector<16xf32>
    %add3A_55 = arith.addf %add3A_54, %abs3A_52 : vector<16xf32>
    %div3A_56 = arith.divf %get3A_48, %add3A_55 : vector<16xf32>
    %add3A_57 = arith.addf %add3A_45, %div3A_56 : vector<16xf32>
    %get3A_58 = arith.constant 80 : index
    %get3A_59 = tpu.vector_load %arg4[%get3A_58] {strides = array<i32>} : memref<256xf32, #tpu.memory_space<vmem>>, vector<16xf32>,
    %get3A_60 = vector.shape_cast %get3A_59 : vector<16xf32> to vector<16xf32>
    %mul3A_61 = arith.constant -0.144764826 : f32
    %mul3A_62 = vector.broadcast %mul3A_61 : f32 to vector<16xf32>
    %mul3A_63 = arith.mulf %get3A_60, %mul3A_62 : vector<16xf32>
    %abs3A_64 = math.absf %mul3A_63 : vector<16xf32>
    %add3A_65 = arith.constant 1.000000e+00 : f32
    %add3A_66 = vector.broadcast %add3A_65 : f32 to vector<16xf32>
    %add3A_67 = arith.addf %add3A_66, %abs3A_64 : vector<16xf32>
    %div3A_68 = arith.divf %get3A_60, %add3A_67 : vector<16xf32>
    %add3A_69 = arith.addf %add3A_57, %div3A_68 : vector<16xf32>
    %get3A_70 = arith.constant 96 : index
    %get3A_71 = tpu.vector_load %arg4[%get3A_70] {strides = array<i32>} : memref<256xf32, #tpu.memory_space<vmem>>, vector<16xf32>,
    %get3A_72 = vector.shape_cast %get3A_71 : vector<16xf32> to vector<16xf32>
    %mul3A_73 = arith.constant -0.144764826 : f32
    %mul3A_74 = vector.broadcast %mul3A_73 : f32 to vector<16xf32>
    %mul3A_75 = arith.mulf %get3A_72, %mul3A_74 : vector<16xf32>
    %abs3A_76 = math.absf %mul3A_75 : vector<16xf32>
    %add3A_77 = arith.constant 1.000000e+00 : f32
    %add3A_78 = vector.broadcast %add3A_77 : f32 to vector<16xf32>
    %add3A_79 = arith.addf %add3A_78, %abs3A_76 : vector<16xf32>
    %div3A_80 = arith.divf %get3A_72, %add3A_79 : vector<16xf32>
    %add3A_81 = arith.addf %add3A_69, %div3A_80 : vector<16xf32>
    %get3A_82 = arith.constant 112 : index
    %get3A_83 = tpu.vector_load %arg4[%get3A_82] {strides = array<i32>} : memref<256xf32, #tpu.memory_space<vmem>>, vector<16xf32>,
    %get3A_84 = vector.shape_cast %get3A_83 : vector<16xf32> to vector<16xf32>
    %mul3A_85 = arith.constant -0.144764826 : f32
    %mul3A_86 = vector.broadcast %mul3A_85 : f32 to vector<16xf32>
    %mul3A_87 = arith.mulf %get3A_84, %mul3A_86 : vector<16xf32>
    %abs3A_88 = math.absf %mul3A_87 : vector<16xf32>
    %add3A_89 = arith.constant 1.000000e+00 : f32
    %add3A_90 = vector.broadcast %add3A_89 : f32 to vector<16xf32>
    %add3A_91 = arith.addf %add3A_90, %abs3A_88 : vector<16xf32>
    %div3A_92 = arith.divf %get3A_84, %add3A_91 : vector<16xf32>
    %add3A_93 = arith.addf %add3A_81, %div3A_92 : vector<16xf32>
    %get3A_94 = arith.constant 128 : index
    %get3A_95 = tpu.vector_load %arg4[%get3A_94] {strides = array<i32>} : memref<256xf32, #tpu.memory_space<vmem>>, vector<16xf32>,
    %get3A_96 = vector.shape_cast %get3A_95 : vector<16xf32> to vector<16xf32>
    %mul3A_97 = arith.constant -0.144764826 : f32
    %mul3A_98 = vector.broadcast %mul3A_97 : f32 to vector<16xf32>
    %mul3A_99 = arith.mulf %get3A_96, %mul3A_98 : vector<16xf32>
    %abs3A_100 = math.absf %mul3A_99 : vector<16xf32>
    %add3A_101 = arith.constant 1.000000e+00 : f32
    %add3A_102 = vector.broadcast %add3A_101 : f32 to vector<16xf32>
    %add3A_103 = arith.addf %add3A_102, %abs3A_100 : vector<16xf32>
    %div3A_104 = arith.divf %get3A_96, %add3A_103 : vector<16xf32>
    %add3A_105 = arith.addf %add3A_93, %div3A_104 : vector<16xf32>
    %get3A_106 = arith.constant 144 : index
    %get3A_107 = tpu.vector_load %arg4[%get3A_106] {strides = array<i32>} : memref<256xf32, #tpu.memory_space<vmem>>, vector<16xf32>,
    %get3A_108 = vector.shape_cast %get3A_107 : vector<16xf32> to vector<16xf32>
    %mul3A_109 = arith.constant -0.144764826 : f32
    %mul3A_110 = vector.broadcast %mul3A_109 : f32 to vector<16xf32>
    %mul3A_111 = arith.mulf %get3A_108, %mul3A_110 : vector<16xf32>
    %abs3A_112 = math.absf %mul3A_111 : vector<16xf32>
    %add3A_113 = arith.constant 1.000000e+00 : f32
    %add3A_114 = vector.broadcast %add3A_113 : f32 to vector<16xf32>
    %add3A_115 = arith.addf %add3A_114, %abs3A_112 : vector<16xf32>
    %div3A_116 = arith.divf %get3A_108, %add3A_115 : vector<16xf32>
    %add3A_117 = arith.addf %add3A_105, %div3A_116 : vector<16xf32>
    %get3A_118 = arith.constant 160 : index
    %get3A_119 = tpu.vector_load %arg4[%get3A_118] {strides = array<i32>} : memref<256xf32, #tpu.memory_space<vmem>>, vector<16xf32>,
    %get3A_120 = vector.shape_cast %get3A_119 : vector<16xf32> to vector<16xf32>
    %mul3A_121 = arith.constant -0.144764826 : f32
    %mul3A_122 = vector.broadcast %mul3A_121 : f32 to vector<16xf32>
    %mul3A_123 = arith.mulf %get3A_120, %mul3A_122 : vector<16xf32>
    %abs3A_124 = math.absf %mul3A_123 : vector<16xf32>
    %add3A_125 = arith.constant 1.000000e+00 : f32
    %add3A_126 = vector.broadcast %add3A_125 : f32 to vector<16xf32>
    %add3A_127 = arith.addf %add3A_126, %abs3A_124 : vector<16xf32>
    %div3A_128 = arith.divf %get3A_120, %add3A_127 : vector<16xf32>
    %add3A_129 = arith.addf %add3A_117, %div3A_128 : vector<16xf32>
    %get3A_130 = arith.constant 176 : index
    %get3A_131 = tpu.vector_load %arg4[%get3A_130] {strides = array<i32>} : memref<256xf32, #tpu.memory_space<vmem>>, vector<16xf32>,
    %get3A_132 = vector.shape_cast %get3A_131 : vector<16xf32> to vector<16xf32>
    %mul3A_133 = arith.constant -0.144764826 : f32
    %mul3A_134 = vector.broadcast %mul3A_133 : f32 to vector<16xf32>
    %mul3A_135 = arith.mulf %get3A_132, %mul3A_134 : vector<16xf32>
    %abs3A_136 = math.absf %mul3A_135 : vector<16xf32>
    %add3A_137 = arith.constant 1.000000e+00 : f32
    %add3A_138 = vector.broadcast %add3A_137 : f32 to vector<16xf32>
    %add3A_139 = arith.addf %add3A_138, %abs3A_136 : vector<16xf32>
    %div3A_140 = arith.divf %get3A_132, %add3A_139 : vector<16xf32>
    %add3A_141 = arith.addf %add3A_129, %div3A_140 : vector<16xf32>
    %get3A_142 = arith.constant 192 : index
    %get3A_143 = tpu.vector_load %arg4[%get3A_142] {strides = array<i32>} : memref<256xf32, #tpu.memory_space<vmem>>, vector<16xf32>,
    %get3A_144 = vector.shape_cast %get3A_143 : vector<16xf32> to vector<16xf32>
    %mul3A_145 = arith.constant -0.144764826 : f32
    %mul3A_146 = vector.broadcast %mul3A_145 : f32 to vector<16xf32>
    %mul3A_147 = arith.mulf %get3A_144, %mul3A_146 : vector<16xf32>
    %abs3A_148 = math.absf %mul3A_147 : vector<16xf32>
    %add3A_149 = arith.constant 1.000000e+00 : f32
    %add3A_150 = vector.broadcast %add3A_149 : f32 to vector<16xf32>
    %add3A_151 = arith.addf %add3A_150, %abs3A_148 : vector<16xf32>
    %div3A_152 = arith.divf %get3A_144, %add3A_151 : vector<16xf32>
    %add3A_153 = arith.addf %add3A_141, %div3A_152 : vector<16xf32>
    %get3A_154 = arith.constant 208 : index
    %get3A_155 = tpu.vector_load %arg4[%get3A_154] {strides = array<i32>} : memref<256xf32, #tpu.memory_space<vmem>>, vector<16xf32>,
    %get3A_156 = vector.shape_cast %get3A_155 : vector<16xf32> to vector<16xf32>
    %mul3A_157 = arith.constant -0.144764826 : f32
    %mul3A_158 = vector.broadcast %mul3A_157 : f32 to vector<16xf32>
    %mul3A_159 = arith.mulf %get3A_156, %mul3A_158 : vector<16xf32>
    %abs3A_160 = math.absf %mul3A_159 : vector<16xf32>
    %add3A_161 = arith.constant 1.000000e+00 : f32
    %add3A_162 = vector.broadcast %add3A_161 : f32 to vector<16xf32>
    %add3A_163 = arith.addf %add3A_162, %abs3A_160 : vector<16xf32>
    %div3A_164 = arith.divf %get3A_156, %add3A_163 : vector<16xf32>
    %add3A_165 = arith.addf %add3A_153, %div3A_164 : vector<16xf32>
    %get3A_166 = arith.constant 224 : index
    %get3A_167 = tpu.vector_load %arg4[%get3A_166] {strides = array<i32>} : memref<256xf32, #tpu.memory_space<vmem>>, vector<16xf32>,
    %get3A_168 = vector.shape_cast %get3A_167 : vector<16xf32> to vector<16xf32>
    %mul3A_169 = arith.constant -0.144764826 : f32
    %mul3A_170 = vector.broadcast %mul3A_169 : f32 to vector<16xf32>
    %mul3A_171 = arith.mulf %get3A_168, %mul3A_170 : vector<16xf32>
    %abs3A_172 = math.absf %mul3A_171 : vector<16xf32>
    %add3A_173 = arith.constant 1.000000e+00 : f32
    %add3A_174 = vector.broadcast %add3A_173 : f32 to vector<16xf32>
    %add3A_175 = arith.addf %add3A_174, %abs3A_172 : vector<16xf32>
    %div3A_176 = arith.divf %get3A_168, %add3A_175 : vector<16xf32>
    %add3A_177 = arith.addf %add3A_165, %div3A_176 : vector<16xf32>
    %get3A_178 = arith.constant 240 : index
    %get3A_179 = tpu.vector_load %arg4[%get3A_178] {strides = array<i32>} : memref<256xf32, #tpu.memory_space<vmem>>, vector<16xf32>,
    %get3A_180 = vector.shape_cast %get3A_179 : vector<16xf32> to vector<16xf32>
    %mul3A_181 = arith.constant -0.144764826 : f32
    %mul3A_182 = vector.broadcast %mul3A_181 : f32 to vector<16xf32>
    %mul3A_183 = arith.mulf %get3A_180, %mul3A_182 : vector<16xf32>
    %abs3A_184 = math.absf %mul3A_183 : vector<16xf32>
    %add3A_185 = arith.constant 1.000000e+00 : f32
    %add3A_186 = vector.broadcast %add3A_185 : f32 to vector<16xf32>
    %add3A_187 = arith.addf %add3A_186, %abs3A_184 : vector<16xf32>
    %div3A_188 = arith.divf %get3A_180, %add3A_187 : vector<16xf32>
    %add3A_189 = arith.addf %add3A_177, %div3A_188 : vector<16xf32>
    %slice3A = vector.extract_strided_slice %add3A_189 {offsets = [0], sizes = [1], strides = [1]} : vector<16xf32> to vector<1xf32>
    %squeeze3A = vector.extract %slice3A[0] : f32 from vector<1xf32>
    %slice3A_190 = vector.extract_strided_slice %add3A_189 {offsets = [1], sizes = [1], strides = [1]} : vector<16xf32> to vector<1xf32>
    %squeeze3A_191 = vector.extract %slice3A_190[0] : f32 from vector<1xf32>
    %add3A_192 = arith.addf %squeeze3A, %squeeze3A_191 : f32
    %slice3A_193 = vector.extract_strided_slice %add3A_189 {offsets = [2], sizes = [1], strides = [1]} : vector<16xf32> to vector<1xf32>
    %squeeze3A_194 = vector.extract %slice3A_193[0] : f32 from vector<1xf32>
    %add3A_195 = arith.addf %add3A_192, %squeeze3A_194 : f32
    %slice3A_196 = vector.extract_strided_slice %add3A_189 {offsets = [3], sizes = [1], strides = [1]} : vector<16xf32> to vector<1xf32>
    %squeeze3A_197 = vector.extract %slice3A_196[0] : f32 from vector<1xf32>
    %add3A_198 = arith.addf %add3A_195, %squeeze3A_197 : f32
    %slice3A_199 = vector.extract_strided_slice %add3A_189 {offsets = [4], sizes = [1], strides = [1]} : vector<16xf32> to vector<1xf32>
    %squeeze3A_200 = vector.extract %slice3A_199[0] : f32 from vector<1xf32>
    %add3A_201 = arith.addf %add3A_198, %squeeze3A_200 : f32
    %slice3A_202 = vector.extract_strided_slice %add3A_189 {offsets = [5], sizes = [1], strides = [1]} : vector<16xf32> to vector<1xf32>
    %squeeze3A_203 = vector.extract %slice3A_202[0] : f32 from vector<1xf32>
    %add3A_204 = arith.addf %add3A_201, %squeeze3A_203 : f32
    %slice3A_205 = vector.extract_strided_slice %add3A_189 {offsets = [6], sizes = [1], strides = [1]} : vector<16xf32> to vector<1xf32>
    %squeeze3A_206 = vector.extract %slice3A_205[0] : f32 from vector<1xf32>
    %add3A_207 = arith.addf %add3A_204, %squeeze3A_206 : f32
    %slice3A_208 = vector.extract_strided_slice %add3A_189 {offsets = [7], sizes = [1], strides = [1]} : vector<16xf32> to vector<1xf32>
    %squeeze3A_209 = vector.extract %slice3A_208[0] : f32 from vector<1xf32>
    %add3A_210 = arith.addf %add3A_207, %squeeze3A_209 : f32
    %slice3A_211 = vector.extract_strided_slice %add3A_189 {offsets = [8], sizes = [1], strides = [1]} : vector<16xf32> to vector<1xf32>
    %squeeze3A_212 = vector.extract %slice3A_211[0] : f32 from vector<1xf32>
    %add3A_213 = arith.addf %add3A_210, %squeeze3A_212 : f32
    %slice3A_214 = vector.extract_strided_slice %add3A_189 {offsets = [9], sizes = [1], strides = [1]} : vector<16xf32> to vector<1xf32>
    %squeeze3A_215 = vector.extract %slice3A_214[0] : f32 from vector<1xf32>
    %add3A_216 = arith.addf %add3A_213, %squeeze3A_215 : f32
    %slice3A_217 = vector.extract_strided_slice %add3A_189 {offsets = [10], sizes = [1], strides = [1]} : vector<16xf32> to vector<1xf32>
    %squeeze3A_218 = vector.extract %slice3A_217[0] : f32 from vector<1xf32>
    %add3A_219 = arith.addf %add3A_216, %squeeze3A_218 : f32
    %slice3A_220 = vector.extract_strided_slice %add3A_189 {offsets = [11], sizes = [1], strides = [1]} : vector<16xf32> to vector<1xf32>
    %squeeze3A_221 = vector.extract %slice3A_220[0] : f32 from vector<1xf32>
    %add3A_222 = arith.addf %add3A_219, %squeeze3A_221 : f32
    %slice3A_223 = vector.extract_strided_slice %add3A_189 {offsets = [12], sizes = [1], strides = [1]} : vector<16xf32> to vector<1xf32>
    %squeeze3A_224 = vector.extract %slice3A_223[0] : f32 from vector<1xf32>
    %add3A_225 = arith.addf %add3A_222, %squeeze3A_224 : f32
    %slice3A_226 = vector.extract_strided_slice %add3A_189 {offsets = [13], sizes = [1], strides = [1]} : vector<16xf32> to vector<1xf32>
    %squeeze3A_227 = vector.extract %slice3A_226[0] : f32 from vector<1xf32>
    %add3A_228 = arith.addf %add3A_225, %squeeze3A_227 : f32
    %slice3A_229 = vector.extract_strided_slice %add3A_189 {offsets = [14], sizes = [1], strides = [1]} : vector<16xf32> to vector<1xf32>
    %squeeze3A_230 = vector.extract %slice3A_229[0] : f32 from vector<1xf32>
    %add3A_231 = arith.addf %add3A_228, %squeeze3A_230 : f32
    %slice3A_232 = vector.extract_strided_slice %add3A_189 {offsets = [15], sizes = [1], strides = [1]} : vector<16xf32> to vector<1xf32>
    %squeeze3A_233 = vector.extract %slice3A_232[0] : f32 from vector<1xf32>
    %add3A_234 = arith.addf %add3A_231, %squeeze3A_233 : f32
    %broadcast_in_dim3A_235 = vector.broadcast %add3A_234 : f32 to vector<16xf32>
    %scan3A = arith.constant 0 : i32
    %scan3A_236 = arith.constant 0 : i32
    %scan3A_237 = arith.constant 64 : i32
    %scan3A_238 = arith.addi %scan3A_236, %scan3A_237 : i32
    %scan3A_239 = arith.constant 1 : i32
    %scan3A_240 = scf.for %scan3A_244 = %scan3A_236 to %scan3A_238 step %scan3A_239 iter_args(%scan3A_245 = %scan3A) -> (i32)  : i32 {
      %mul3A_246 = arith.constant 16 : i32
      %mul3A_247 = arith.muli %scan3A_244, %mul3A_246 : i32
      %swap3A = arith.index_cast %mul3A_247 : i32 to index
      %swap3A_248 = tpu.vector_load %arg5[%swap3A] {strides = array<i32>} : memref<1024xf32, #tpu.memory_space<vmem>>, vector<16xf32>,
      %swap3A_249 = vector.shape_cast %swap3A_248 : vector<16xf32> to vector<16xf32>
      %swap3A_250 = vector.shape_cast %broadcast_in_dim3A_235 : vector<16xf32> to vector<16xf32>
      tpu.vector_store %arg5[%swap3A], %swap3A_250 {strides = array<i32>} : memref<1024xf32, #tpu.memory_space<vmem>>, vector<16xf32>,
      %scan3A_251 = arith.constant 0 : i32
      scf.yield %scan3A_251 : i32
    }
    %scan3A_241 = arith.constant 64 : i32
    %dma_start3A = tpu.memref_slice %arg3[%mul3A_0] : memref<16384xf32, #tpu.memory_space<hbm>> -> memref<1024xf32, #tpu.memory_space<hbm>>
    %dma_start3A_242 = tpu.memref_slice %arg3[%mul3A_0] : memref<16384xf32, #tpu.memory_space<hbm>> -> memref<1024xf32, #tpu.memory_space<hbm>>
    tpu.enqueue_dma source(%arg5 : memref<1024xf32, #tpu.memory_space<vmem>>) target(%dma_start3A_242 : memref<1024xf32, #tpu.memory_space<hbm>>) target_semaphore(%arg6 : memref<!tpu.dma_semaphore, #tpu.memory_space<semaphore_mem>>)
    %dma_wait3A = tpu.memref_slice %arg3[%mul3A_0] : memref<16384xf32, #tpu.memory_space<hbm>> -> memref<1024xf32, #tpu.memory_space<hbm>>
    %dma_wait3A_243 = tpu.memref_slice %arg3[%mul3A_0] : memref<16384xf32, #tpu.memory_space<hbm>> -> memref<1024xf32, #tpu.memory_space<hbm>>
    tpu.wait_dma2 semaphore(%arg6 : memref<!tpu.dma_semaphore, #tpu.memory_space<semaphore_mem>>) src(%arg5 : memref<1024xf32, #tpu.memory_space<vmem>>) dst(%dma_wait3A_243 : memref<1024xf32, #tpu.memory_space<hbm>>)
    return
  }
}

module attributes {stable_mosaic.version = 14 : i64} {
  func.func @_affine_tc_body(%arg0: i32, %arg1: memref<4096x512xf32, #tpu.memory_space<vmem>>, %arg2: memref<1x256xf32, #tpu.memory_space<vmem>>, %arg3: memref<1x256xf32, #tpu.memory_space<vmem>>, %arg4: memref<4096x512xf32, #tpu.memory_space<vmem>>) attributes {dimension_semantics = [#tpu.dimension_semantics<arbitrary>], iteration_bounds = array<i64: 4>, scalar_prefetch = 0 : i64, scratch_operands = 0 : i64, tpu.core_type = #tpu.core_type<tc>, window_params = [{transform_indices = @transform_0, window_bounds = array<i64: 4096, 512>}, {pipeline_mode = #tpu.pipeline_mode<synchronous>, transform_indices = @transform_1, window_bounds = array<i64: 1, 256>}, {pipeline_mode = #tpu.pipeline_mode<synchronous>, transform_indices = @transform_2, window_bounds = array<i64: 1, 256>}, {transform_indices = @transform_3, window_bounds = array<i64: 4096, 512>}]} {
    %get3A = arith.constant 0 : index
    %get3A_0 = arith.constant 0 : index
    %get3A_1 = vector.load %arg2[%get3A, %get3A_0] : memref<1x256xf32, #tpu.memory_space<vmem>>, vector<1x256xf32>
    %get3A_2 = vector.shape_cast %get3A_1 : vector<1x256xf32> to vector<256xf32>
    %mul3A = arith.constant -0.144764826 : f32
    %mul3A_3 = vector.broadcast %mul3A : f32 to vector<256xf32>
    %mul3A_4 = arith.mulf %get3A_2, %mul3A_3 : vector<256xf32>
    %abs3A = math.absf %mul3A_4 : vector<256xf32>
    %add3A = arith.constant 1.000000e+00 : f32
    %add3A_5 = vector.broadcast %add3A : f32 to vector<256xf32>
    %add3A_6 = arith.addf %add3A_5, %abs3A : vector<256xf32>
    %div3A = arith.divf %get3A_2, %add3A_6 : vector<256xf32>
    %exp3A = math.exp %div3A : vector<256xf32>
    %get3A_7 = arith.constant 0 : index
    %get3A_8 = arith.constant 0 : index
    %get3A_9 = vector.load %arg1[%get3A_7, %get3A_8] : memref<4096x512xf32, #tpu.memory_space<vmem>>, vector<4096x256xf32>
    %broadcast_in_dim3A = vector.shape_cast %exp3A : vector<256xf32> to vector<1x256xf32>
    %mul3A_10 = vector.broadcast %broadcast_in_dim3A : vector<1x256xf32> to vector<4096x256xf32>
    %mul3A_11 = arith.mulf %get3A_9, %mul3A_10 : vector<4096x256xf32>
    %get3A_12 = arith.constant 0 : index
    %get3A_13 = arith.constant 0 : index
    %get3A_14 = vector.load %arg3[%get3A_12, %get3A_13] : memref<1x256xf32, #tpu.memory_space<vmem>>, vector<1x256xf32>
    %get3A_15 = vector.shape_cast %get3A_14 : vector<1x256xf32> to vector<256xf32>
    %broadcast_in_dim3A_16 = vector.shape_cast %get3A_15 : vector<256xf32> to vector<1x256xf32>
    %add3A_17 = vector.broadcast %broadcast_in_dim3A_16 : vector<1x256xf32> to vector<4096x256xf32>
    %add3A_18 = arith.addf %mul3A_11, %add3A_17 : vector<4096x256xf32>
    %swap3A = arith.constant 0 : index
    %swap3A_19 = arith.constant 0 : index
    %swap3A_20 = vector.load %arg4[%swap3A, %swap3A_19] : memref<4096x512xf32, #tpu.memory_space<vmem>>, vector<4096x256xf32>
    tpu.vector_store %arg4[%swap3A, %swap3A_19], %add3A_18 {strides = array<i32>} : memref<4096x512xf32, #tpu.memory_space<vmem>>, vector<4096x256xf32>,
    %get3A_21 = arith.constant 0 : index
    %get3A_22 = arith.constant 256 : index
    %get3A_23 = vector.load %arg1[%get3A_21, %get3A_22] : memref<4096x512xf32, #tpu.memory_space<vmem>>, vector<4096x256xf32>
    %swap3A_24 = arith.constant 0 : index
    %swap3A_25 = arith.constant 256 : index
    %swap3A_26 = vector.load %arg4[%swap3A_24, %swap3A_25] : memref<4096x512xf32, #tpu.memory_space<vmem>>, vector<4096x256xf32>
    tpu.vector_store %arg4[%swap3A_24, %swap3A_25], %get3A_23 {strides = array<i32>} : memref<4096x512xf32, #tpu.memory_space<vmem>>, vector<4096x256xf32>,
    return
  }
  func.func @transform_0(%arg0: i32) -> (i32, i32) {
    %c0_i32 = arith.constant 0 : i32
    %c0_i32_0 = arith.constant 0 : i32
    return %arg0, %c0_i32 : i32, i32
  }
  func.func @transform_1(%arg0: i32) -> (i32, i32) {
    %c0_i32 = arith.constant 0 : i32
    %c0_i32_0 = arith.constant 0 : i32
    %c0_i32_1 = arith.constant 0 : i32
    return %c0_i32, %c0_i32_0 : i32, i32
  }
  func.func @transform_2(%arg0: i32) -> (i32, i32) {
    %c0_i32 = arith.constant 0 : i32
    %c0_i32_0 = arith.constant 0 : i32
    %c0_i32_1 = arith.constant 0 : i32
    return %c0_i32, %c0_i32_0 : i32, i32
  }
  func.func @transform_3(%arg0: i32) -> (i32, i32) {
    %c0_i32 = arith.constant 0 : i32
    %c0_i32_0 = arith.constant 0 : i32
    return %arg0, %c0_i32 : i32, i32
  }
}

</mosaic_0001>

<sc_bundles>
// kernel: kernel.4.cloned.1.call-start
scs
__scs_entry_jumppad:
0x0: {  	(pc) =	sbr.rel $0x88, $3  }
0x1: {  	(tag) =	ssettag $0x0;
	lr =	simm.s32 $0x1  }
0x2: {  	[smem:$0x3F9E] =	sst lr;
	_ =	strace $0xD0000000  }
0x3: {  	_ = 	snop  }
0x4: {  	_ = 	snop  }
0x5: {  	_ = 	snop  }
0x6: {  	_ = 	snop  }
0x7: {  	_ = 	snop  }
__scs_overlays_trampoline_lowered:
0x8: {  	[smem:$0x3FAD] =	sst s0  }
0x9: {  	[smem:$0x3FAE] =	sst s1  }
0xa: {  	[smem:$0x3FAF] =	sst s2  }
0xb: {  	[smem:$0x3FB0] =	sst s3  }
0xc: {  	[smem:$0x3FB1] =	sst s4  }
0xd: {  	[smem:$0x3FB2] =	sst s5  }
0xe: {  	[smem:$0x3FB3] =	sst s6  }
0xf: {  	[smem:$0x3FB4] =	sst s7  }
0x10: {  	[smem:$0x3FB5] =	sst s8  }
0x11: {  	[smem:$0x3FB6] =	sst s9;
	s0 =	simm.s32 @!p0 $0x0  }
0x12: {  	s1 =	sld [smem:$0x3F9C];
	s0 =	simm.s32 @p0 $0x1  }
0x13: {  	[smem:$0x3FB7] =	sst s0;
	s0 =	simm.s32 @!p1 $0x0  }
0x14: {  	s2 =	sld [smem:$0x3F9B];
	s0 =	simm.s32 @p1 $0x1  }
0x15: {  	[smem:$0x3FB8] =	sst s0;
	s0 =	simm.s32 @!p2 $0x0  }
0x16: {  	s3 =	sld [smem:$0x3FDB];
	s0 =	simm.s32 @p2 $0x1  }
0x17: {  	s4 =	simm.s32 $0x1BF5;
	[smem:$0x3FBA] =	sst s0  }
0x18: {  	s0 =	sld [smem:$0x3F9D];
	_ =	swait.ge [sflag:s4], $0x0  }
0x19: {  	s7 =	sld [smem:$0x3F9E]  }
0x1a: {  	s8 =	sadd.s32 $0xFFFFE003, lr  }
0x1b: {  	s9 =	sadd.s32 $0xFFFFFEF7, lr;
	s5 =	simm.s32 $0xFFFFFFFF;
	p2 =	slt.u32 s8, $0xFFFFF086  }
0x1c: {  	p1 =	slt.u32 s9, $0xF7A;
	s5 =	simm.s32 @!p2 $0x0  }
0x1d: {  	s5 =	simm.s32 @p1 $0x1;
	p0 =	seq.s32 s7, s2  }
0x1e: {  	s7 =	smul.u32 @!p0 $0xF7A, s2;
	p2 =	seq.s32 @!p0 s5, $0x0  }
0x1f: {  	s9 =	smul.u32 $0xF7A, s1;
	s8 =	simm.s32 @!p0 $0x1BF5;
	p2 =	por !p2, p0  }
0x20: {  	[sflag:s8] =	ssyncset.s32 @!p0 $0xFFFFF086;
	s6 =	sadd.s32 @!p0 s3, s7;
	s7 =	simm.s32 @!p0 $0x108  }
0x21: {  	s3 =	sadd.s32 s3, s9;
	s6 =	sadd.s32 @!p0 $0x88, s6;
	s7 =	simm.s32 @p2 $0x1082  }
0x22: {  	[simem:s7], [sflag:s8] =	dma.local @!p0 [hbm:s6], $0xF7A  }
0x23: {  	s9 =	sor.u32 $0xD0000000, s2;
	s6 =	simm.s32 $0x108;
	_ =	swait.ge @!p0 [sflag:s8], $0x0  }
0x24: {  	s3 =	sadd.s32 $0x88, s3;
	s6 =	simm.s32 @!p1 $0x1082;
	[sflag:s4] =	ssyncset.s32 $0xFFFFF086  }
0x25: {  	[simem:s6], [sflag:s4] =	dma.local [hbm:s3], $0xF7A  }
0x26: {  	[smem:$0x3F9E] =	sst s1;
	(tag) =	ssettag s2;
	_ =	strace s9  }
0x27: {  	s1 =	sld [smem:$0x3FAE]  }
0x28: {  	s2 =	sld [smem:$0x3FAF]  }
0x29: {  	s4 =	sld [smem:$0x3FB1]  }
0x2a: {  	p0 =	seq.s32 s5, $0x0;
	s5 =	sld [smem:$0x3FB2]  }
0x2b: {  	s6 =	sld [smem:$0x3FB3]  }
0x2c: {  	s7 =	sld [smem:$0x3FB4]  }
0x2d: {  	s3 =	simm.s32 $0x108;
	s8 =	sld [smem:$0x3FB5]  }
0x2e: {  	s3 =	simm.s32 @!p0 $0x1082;
	s9 =	sld [smem:$0x3FB6]  }
0x2f: {  	lr =	sadd.s32 s0, s3;
	s0 =	sld [smem:$0x3FAD]  }
0x30: {  	s3 =	sld [smem:$0x3FB0]  }
0x31: {  	[smem:$0x3FB9] =	sst s10  }
0x32: {  	s10 =	sld [smem:$0x3FB7];
	_ =	sdelay $0x3  }
0x33: {  	p0 =	seq.s32 s10, $0x1;
	s10 =	sld [smem:$0x3FB9];
	_ =	sdelay $0x3  }
0x34: {  	[smem:$0x3FB9] =	sst s10  }
0x35: {  	s10 =	sld [smem:$0x3FB8];
	_ =	sdelay $0x3  }
0x36: {  	p1 =	seq.s32 s10, $0x1;
	s10 =	sld [smem:$0x3FB9];
	_ =	sdelay $0x3  }
0x37: {  	[smem:$0x3FB9] =	sst s10  }
0x38: {  	s10 =	sld [smem:$0x3FBA]  }
0x39: {  	_ = 	snop;
	(pc) =	sbr.ind lr, $3  }
0x3a: {  	_ = 	snop  }
0x3b: {  	_ = 	snop  }
0x3c: {  	p2 =	seq.s32 s10, $0x1;
	s10 =	sld [smem:$0x3FB9]  }
0x3d: {  	_ =	shalt  }
0x3e: {  	_ =	shalt  }
0x3f: {  	_ =	shalt  }
0x40: {  	_ =	shalt  }
0x41: {  	_ =	shalt  }
0x42: {  	_ =	shalt  }
0x43: {  	_ =	shalt  }
0x44: {  	_ =	shalt  }
0x45: {  	_ =	shalt  }
0x46: {  	_ =	shalt  }
0x47: {  	_ =	shalt  }
0x48: {  	_ =	shalt  }
0x49: {  	_ =	shalt  }
0x4a: {  	_ =	shalt  }
0x4b: {  	_ =	shalt  }
0x4c: {  	_ =	shalt  }
0x4d: {  	_ =	shalt  }
0x4e: {  	_ =	shalt  }
0x4f: {  	_ =	shalt  }
0x50: {  	_ =	shalt  }
0x51: {  	_ =	shalt  }
0x52: {  	_ =	shalt  }
0x53: {  	_ =	shalt  }
0x54: {  	_ =	shalt  }
0x55: {  	_ =	shalt  }
0x56: {  	_ =	shalt  }
0x57: {  	_ =	shalt  }
0x58: {  	_ =	shalt  }
0x59: {  	_ =	shalt  }
0x5a: {  	_ =	shalt  }
0x5b: {  	_ =	shalt  }
0x5c: {  	_ =	shalt  }
0x5d: {  	_ =	shalt  }
0x5e: {  	_ =	shalt  }
0x5f: {  	_ =	shalt  }
0x60: {  	_ =	shalt  }
0x61: {  	_ =	shalt  }
0x62: {  	_ =	shalt  }
0x63: {  	_ =	shalt  }
0x64: {  	_ =	shalt  }
0x65: {  	_ =	shalt  }
0x66: {  	_ =	shalt  }
0x67: {  	_ =	shalt  }
0x68: {  	_ =	shalt  }
0x69: {  	_ =	shalt  }
0x6a: {  	_ =	shalt  }
0x6b: {  	_ =	shalt  }
0x6c: {  	_ =	shalt  }
0x6d: {  	_ =	shalt  }
0x6e: {  	_ =	shalt  }
0x6f: {  	_ =	shalt  }
0x70: {  	_ =	shalt  }
0x71: {  	_ =	shalt  }
0x72: {  	_ =	shalt  }
0x73: {  	_ =	shalt  }
0x74: {  	_ =	shalt  }
0x75: {  	_ =	shalt  }
0x76: {  	_ =	shalt  }
0x77: {  	_ =	shalt  }
0x78: {  	_ =	shalt  }
0x79: {  	_ =	shalt  }
0x7a: {  	_ =	shalt  }
0x7b: {  	_ =	shalt  }
0x7c: {  	_ =	shalt  }
0x7d: {  	_ =	shalt  }
0x7e: {  	_ =	shalt  }
0x7f: {  	_ =	shalt  }
0x80: {  	_ =	shalt  }
0x81: {  	_ =	shalt  }
0x82: {  	_ =	shalt  }
0x83: {  	_ =	shalt  }
0x84: {  	_ =	shalt  }
0x85: {  	_ =	shalt  }
0x86: {  	_ =	shalt  }
0x87: {  	_ =	shalt  }
.Lfunc_end0:
.L_simem_size_0:
called_computation_lowered:
.L_overlay_start_0:
0x88: {  	s0 =	sld [smem:$0x3FD9]  }
0x89: {  	s1 =	sld [smem:$0x3FFE];
	_ =	sdelay $0x3  }
0x8a: {  	s0 =	sadd.s32 s1, s0  }
0x8b: {  	[smem:$0x3FC5] =	sst s0  }
0x8c: {  	_ = 	snop  }
0x8d: {  	s0 =	sld [smem:$0x3FD0];
	_ =	sdelay $0x2  }
0x8e: {  	s2 =	simm.s32 $0xA;
	s3 =	simm.s32 $0x10;
	s14 =	sld [smem:$0x3FC8]  }
0x8f: {  	[smem:s3], [sflag:s2] =	dma.local [hbm:s0], $0x1  }
0x90: {  	_ =	swait.eq [sflag:s2], $0x1  }
0x91: {  	[sflag:s2] =	ssyncset.done $0x0  }
0x92: {  	[sflag:s2] =	ssyncadd.s32 $0xFFFFFFFF  }
0x93: {  	s15 =	sld [smem:$0x11];
	(tm) =	ssettm $0x1  }
0x94: {  	s16 =	sld [smem:$0x3FFB];
	_ =	sdelay $0x3  }
0x95: {  	_ =	strace s16  }
0x96: {  	s2 =	sld [smem:$0x3FFC];
	_ =	sdelay $0x3  }
0x97: {  	_ =	strace s2  }
0x98: {  	s2 =	sld [smem:$0x3FFD];
	_ =	sdelay $0x3  }
0x99: {  	_ =	strace s2  }
0x9a: {  	_ =	strace $0x8FFFFFFF  }
0x9b: {  	s17 =	sld [smem:$0x3FDB];
	_ =	sdelay $0x1  }
0x9c: {  	s18 =	simm.s32 $_scs_section_size  }
0x9d: {  	s4 =	simm.s32 $_size__tile_overlayer_lowered;
	s5 =	simm.s32 $_tile_overlayer_lowered  }
0x9e: {  	s21 =	simm.s32 $0x1BFF;
	s20 =	sshll.u32 s5, $0x1;
	s2 =	sadd.s32 s18, s17  }
0x9f: {  	s6 =	simm.s32 $0x0;
	s19 =	sshll.u32 s4, $0x1;
	s4 =	sadd.s32 s20, s2  }
0xa0: {  	[timem:s6], [sflag:s21] =	dma.local [hbm:s4], s19  }
0xa1: {  	_ =	swait.ge [sflag:s21], s19  }
0xa2: {  	s3 =	ssub.s32 $0x0, s19;
	[sflag:s21] =	ssyncset.done $0x0  }
0xa3: {  	[sflag:s21] =	ssyncadd.s32 s3;
	_ =	sdelay $0x1  }
0xa4: {  	s22 =	simm.s32 $0x1B8B  }
0xa5: {  	_ =	swait.ge [sflag:s22], $0x1  }
0xa6: {  	[sflag:s22] =	ssyncset.done $0x0  }
0xa7: {  	s23 =	simm.s32 $0x1B8E;
	[sflag:s22] =	ssyncadd.s32 $0xFFFFFFFF  }
0xa8: {  	s24 =	simm.s32 $execute0_lowered;
	[smem:$0x3FD2] =	sst s23  }
0xa9: {  	s3 =	sshll.u32 s24, $0x1;
	_ =	strace $0x80000046;
	[dreg:$0x1] =	wrdreg $0xFFFFFFFF  }
0xaa: {  	s25 =	simm.s32 $_size_execute0_lowered;
	s2 =	sadd.s32 s2, s3;
	[dreg:$0x0] =	wrdreg $0x0  }
0xab: {  	s3 =	sshll.u32 s25, $0x1;
	[dreg:$0x2] =	wrdreg s2  }
0xac: {  	[dreg:$0x3] =	wrdreg s3  }
0xad: {  	[dreg:$0x4] =	wrdreg $0xC0  }
0xae: {  	_ =	task [dreg:s6], $0x5FFFF  }
0xaf: {  	[dreg:$0x1] =	wrdreg $0xFFFFFFFF  }
0xb0: {  	[dreg:$0x0] =	wrdreg $0x60  }
0xb1: {  	[dreg:$0x2] =	wrdreg s14  }
0xb2: {  	[dreg:$0x3] =	wrdreg s15  }
0xb3: {  	[dreg:$0x4] =	wrdreg $0x9  }
0xb4: {  	_ =	task.clear_ibuf [dreg:s6], $0x5FFFF;
	_ =	strace $0x90000046  }
0xb5: {  	s26 =	simm.s32 $0x9;
	_ =	strace $0x80000048  }
0xb6: {  	_ =	swait.ge [sflag:s26], $0x1  }
0xb7: {  	[sflag:s26] =	ssyncadd.s32 $0xFFFFFFFF  }
0xb8: {  	_ =	strace $0x90000048  }
0xb9: {  	_ =	sfence  }
0xba: {  	s28 =	sld [smem:$0x0];
	_ =	sdelay $0x1  }
0xbb: {  	s29 =	srdreg.scid  }
0xbc: {  	s30 =	sshll.u32 s29, $0xD;
	s31 =	sshrl.u32 s29, $0x2  }
0xbd: {  	s1 =	sand.u32 $0x1, s29;
	s2 =	sand.u32 $0x4000, s30;
	s0 =	sadd.s32 s31, s28  }
0xbe: {  	s1 =	sor.u32 s2, s1;
	s0 =	sshll.u32 s0, $0x11  }
0xbf: {  	s0 =	sor.u32 s0, s1  }
0xc0: {  	s0 =	sadd.s32 $0x8F2B, s0  }
0xc1: {  	[sflag:s0] =	ssyncadd.remote.s32 $0x1  }
0xc2: {  	_ =	sfence.sel $0xFFFF  }
0xc3: {  	[dreg:$0x0] =	wrdreg $0xFFFFFFFF;
	(pc) =	sbr.abs _section_cstart, $3  }
0xc4: {  	[dreg:$0x1] =	wrdreg $0xFFFFFFFF  }
0xc5: {  	_ =	task.clear_ibuf [dreg:s6], $0x2FFFF;
	_ =	strace $0x9FFFFFFF  }
0xc6: {  	(tm) =	ssettm $0x7FFFFFFF  }
0xc7: {  	_ =	shalt  }
tec
execute0_lowered:
.L_overlay_start_1:
0x0: {  	(tag) =	ssettag $0x1  }
0x1: {  	s2 =	rddreg [dreg:$0x0]  }
0x2: {  	s1 =	rddreg [dreg:$0x1];
	s3 =	simm.s32 $0x0  }
0x3: {  	[smem:$0x7FF] =	sst s3  }
0x4: {  	s0 =	rddreg [dreg:$0x2];
	s14 =	simm.s32 $0x2;
	_ =	strace $0x80000047  }
0x5: {  	[tilespmem:s3], [sflag:$0x2] =	stream.linear.gather [hbm4b:s2+s3], $0x100, $0x38;
	[tilespmem:$0x500] =	vst v63  }
0x6: {  	_ =	swait.ge [sflag:s14], $0x100  }
0x7: {  	[sflag:s14] =	ssyncset.done $0x0  }
0x8: {  	[sflag:s14] =	ssyncadd.s32 $0xFFFFFF00  }
0x9: {  	v0 =	vld [tilespmem:$0x0];
	_ =	sdelay $0x2  }
0xa: {  	v1 =	vld [tilespmem:$0x10];
	_ =	sdelay $0x1  }
0xb: {  	v2 =	vmul.f32 $-1.447648260e-01, v0;
	_ =	sdelay $0x1  }
0xc: {  	v2 =	vand.u32 $0x7FFFFFFF, v2  }
0xd: {  	v3 =	vld [tilespmem:$0x20];
	v4 =	vmul.f32 $-1.447648260e-01, v1;
	v2 =	vadd.f32 $1.000000000e+00, v2;
	_ =	sdelay $0x1  }
0xe: {  	(erf) = vrcp.f32 v2;
	v2 =	vand.u32 $0x7FFFFFFF, v4  }
0xf: {  	v2 =	vadd.f32 $1.000000000e+00, v2  }
0x10: {  	v5 =	vld [tilespmem:$0x30]  }
0x11: {  	v38 =	vmul.f32 $-1.447648260e-01, v3;
	(erf) = vrcp.f32 v2;
	_ =	sdelay $0x1  }
0x12: {  	v6 =	vld [tilespmem:$0x40];
	v2 =	vand.u32 $0x7FFFFFFF, v38  }
0x13: {  	v2 =	vadd.f32 $1.000000000e+00, v2  }
0x14: {  	v39 =	vld [tilespmem:$0x50];
	v7 =	vmul.f32 $-1.447648260e-01, v5  }
0x15: {  	(erf) = vrcp.f32 v2  }
0x16: {  	v2 =	vand.u32 $0x7FFFFFFF, v7  }
0x17: {  	v40 =	vmul.f32 $-1.447648260e-01, v6;
	v2 =	vadd.f32 $1.000000000e+00, v2  }
0x18: {  	v10 =	vpop (erf)  }
0x19: {  	v8 =	vld [tilespmem:$0x60];
	v9 =	vmul.f32 $-1.447648260e-01, v39;
	v7 =	vand.u32 $0x7FFFFFFF, v40;
	(erf) = vrcp.f32 v2;
	v43 =	vpop (erf)  }
0x1a: {  	v2 =	vadd.f32 $1.000000000e+00, v7;
	v0 =	vmul.f32 v10, v0;
	v1 =	vmul.f32 v43, v1  }
0x1b: {  	v9 =	vand.u32 $0x7FFFFFFF, v9  }
0x1c: {  	(erf) = vrcp.f32 v2;
	v2 =	vadd.f32 $1.000000000e+00, v9;
	v0 =	vadd.f32 $0.0e+00, v0;
	_ =	sdelay $0x1  }
0x1d: {  	v41 =	vld [tilespmem:$0x70];
	v42 =	vmul.f32 $-1.447648260e-01, v8;
	(erf) = vrcp.f32 v2;
	v0 =	vadd.f32 v1, v0;
	v1 =	vpop (erf)  }
0x1e: {  	v1 =	vmul.f32 v1, v3  }
0x1f: {  	v2 =	vand.u32 $0x7FFFFFFF, v42  }
0x20: {  	v2 =	vadd.f32 $1.000000000e+00, v2  }
0x21: {  	v11 =	vld [tilespmem:$0x80]  }
0x22: {  	v44 =	vmul.f32 $-1.447648260e-01, v41;
	(erf) = vrcp.f32 v2;
	v0 =	vadd.f32 v1, v0;
	v1 =	vpop (erf)  }
0x23: {  	v1 =	vmul.f32 v1, v5  }
0x24: {  	v2 =	vand.u32 $0x7FFFFFFF, v44;
	v47 =	vpop (erf)  }
0x25: {  	v2 =	vadd.f32 $1.000000000e+00, v2;
	v0 =	vadd.f32 v1, v0;
	v1 =	vmul.f32 v47, v6  }
0x26: {  	v45 =	vld [tilespmem:$0x90];
	v3 =	vmul.f32 $-1.447648260e-01, v11;
	v49 =	vpop (erf)  }
0x27: {  	(erf) = vrcp.f32 v2;
	v0 =	vadd.f32 v1, v0;
	v1 =	vmul.f32 v49, v39  }
0x28: {  	v46 =	vld [tilespmem:$0xA0]  }
0x29: {  	v2 =	vand.u32 $0x7FFFFFFF, v3  }
0x2a: {  	v3 =	vld [tilespmem:$0xB0];
	v2 =	vadd.f32 $1.000000000e+00, v2  }
0x2b: {  	v12 =	vmul.f32 $-1.447648260e-01, v45;
	v0 =	vadd.f32 v1, v0;
	v1 =	vpop (erf)  }
0x2c: {  	v48 =	vld [tilespmem:$0xC0];
	(erf) = vrcp.f32 v2;
	v1 =	vmul.f32 v1, v8  }
0x2d: {  	v50 =	vmul.f32 $-1.447648260e-01, v46;
	v2 =	vand.u32 $0x7FFFFFFF, v12  }
0x2e: {  	v51 =	vld [tilespmem:$0xD0];
	v2 =	vadd.f32 $1.000000000e+00, v2  }
0x2f: {  	v52 =	vand.u32 $0x7FFFFFFF, v50;
	v53 =	vmul.f32 $-1.447648260e-01, v3  }
0x30: {  	v54 =	vld [tilespmem:$0xE0];
	(erf) = vrcp.f32 v2;
	v2 =	vadd.f32 $1.000000000e+00, v52;
	v0 =	vadd.f32 v1, v0;
	v1 =	vpop (erf)  }
0x31: {  	v56 =	vmul.f32 $-1.447648260e-01, v48;
	v55 =	vand.u32 $0x7FFFFFFF, v53;
	v1 =	vmul.f32 v1, v41  }
0x32: {  	v57 =	vld [tilespmem:$0xF0];
	(erf) = vrcp.f32 v2;
	v2 =	vadd.f32 $1.000000000e+00, v55  }
0x33: {  	v13 =	vmul.f32 $-1.447648260e-01, v51;
	v12 =	vand.u32 $0x7FFFFFFF, v56  }
0x34: {  	(erf) = vrcp.f32 v2;
	v2 =	vadd.f32 $1.000000000e+00, v12  }
0x35: {  	v59 =	vmul.f32 $-1.447648260e-01, v54;
	v58 =	vand.u32 $0x7FFFFFFF, v13;
	v0 =	vadd.f32 v1, v0;
	v1 =	vpop (erf)  }
0x36: {  	(erf) = vrcp.f32 v2;
	v2 =	vadd.f32 $1.000000000e+00, v58;
	v1 =	vmul.f32 v1, v11  }
0x37: {  	v61 =	vmul.f32 $-1.447648260e-01, v57;
	v60 =	vand.u32 $0x7FFFFFFF, v59  }
0x38: {  	(erf) = vrcp.f32 v2;
	v2 =	vadd.f32 $1.000000000e+00, v60  }
0x39: {  	v62 =	vand.u32 $0x7FFFFFFF, v61  }
0x3a: {  	v0 =	vadd.f32 v1, v0;
	v1 =	vpop (erf);
	(erf) = vrcp.f32 v2;
	v2 =	vadd.f32 $1.000000000e+00, v62  }
0x3b: {  	v1 =	vmul.f32 v1, v45  }
0x3c: {  	v63 =	vpop (erf)  }
0x3d: {  	(erf) = vrcp.f32 v2;
	v0 =	vadd.f32 v1, v0;
	v1 =	vmul.f32 v63, v46  }
0x3e: {  	v2 =	vpop (erf)  }
0x3f: {  	v0 =	vadd.f32 v1, v0;
	v1 =	vmul.f32 v2, v3  }
0x40: {  	v2 =	vpop (erf)  }
0x41: {  	v0 =	vadd.f32 v1, v0;
	v1 =	vmul.f32 v2, v48  }
0x42: {  	v2 =	vpop (erf)  }
0x43: {  	v0 =	vadd.f32 v1, v0;
	v1 =	vmul.f32 v2, v51  }
0x44: {  	v2 =	vpop (erf)  }
0x45: {  	v0 =	vadd.f32 v1, v0;
	v1 =	vmul.f32 v2, v54  }
0x46: {  	v2 =	vpop (erf)  }
0x47: {  	v0 =	vadd.f32 v1, v0;
	v1 =	vmul.f32 v2, v57;
	_ =	sdelay $0x1  }
0x48: {  	v0 =	vadd.f32 v1, v0;
	_ =	sdelay $0x1  }
0x49: {  	(v2sf) =	vpush v0, $0x0  }
0x4a: {  	(v2sf) =	vpush v0, $0x1;
	_ =	sdelay $0x1  }
0x4b: {  	(v2sf) =	vpush v0, $0x2;
	_ =	sdelay $0x1  }
0x4c: {  	(v2sf) =	vpush v0, $0x3;
	_ =	sdelay $0x1  }
0x4d: {  	(v2sf) =	vpush v0, $0x4;
	_ =	sdelay $0x1  }
0x4e: {  	(v2sf) =	vpush v0, $0x5;
	_ =	sdelay $0x1  }
0x4f: {  	(v2sf) =	vpush v0, $0x6;
	_ =	sdelay $0x1  }
0x50: {  	(v2sf) =	vpush v0, $0x7;
	_ =	sdelay $0x1  }
0x51: {  	s15 =	spop (v2sf);
	(v2sf) =	vpush v0, $0x8  }
0x52: {  	s16 =	spop (v2sf)  }
0x53: {  	(v2sf) =	vpush v0, $0x9;
	s2 =	sadd.f32 s16, s15  }
0x54: {  	s17 =	spop (v2sf)  }
0x55: {  	(v2sf) =	vpush v0, $0xA;
	s2 =	sadd.f32 s2, s17  }
0x56: {  	s18 =	spop (v2sf)  }
0x57: {  	(v2sf) =	vpush v0, $0xB;
	s2 =	sadd.f32 s2, s18  }
0x58: {  	s19 =	spop (v2sf)  }
0x59: {  	(v2sf) =	vpush v0, $0xC;
	s2 =	sadd.f32 s2, s19  }
0x5a: {  	s20 =	spop (v2sf)  }
0x5b: {  	(v2sf) =	vpush v0, $0xD;
	s2 =	sadd.f32 s2, s20  }
0x5c: {  	s21 =	spop (v2sf)  }
0x5d: {  	(v2sf) =	vpush v0, $0xE;
	s2 =	sadd.f32 s2, s21  }
0x5e: {  	s22 =	spop (v2sf)  }
0x5f: {  	(v2sf) =	vpush v0, $0xF;
	s2 =	sadd.f32 s2, s22  }
0x60: {  	s23 =	spop (v2sf)  }
0x61: {  	s2 =	sadd.f32 s2, s23  }
0x62: {  	s24 =	spop (v2sf)  }
0x63: {  	s2 =	sadd.f32 s2, s24  }
0x64: {  	s25 =	spop (v2sf)  }
0x65: {  	s2 =	sadd.f32 s2, s25  }
0x66: {  	s26 =	spop (v2sf)  }
0x67: {  	s2 =	sadd.f32 s2, s26  }
0x68: {  	s28 =	spop (v2sf)  }
0x69: {  	s2 =	sadd.f32 s2, s28  }
0x6a: {  	s29 =	spop (v2sf)  }
0x6b: {  	s2 =	sadd.f32 s2, s29  }
0x6c: {  	s30 =	spop (v2sf)  }
0x6d: {  	s2 =	sadd.f32 s2, s30  }
0x6e: {  	s31 =	spop (v2sf)  }
0x6f: {  	s3 =	sadd.f32 s2, s31;
	_ =	sdelay $0x1  }
0x70: {  	s4 =	simm.s32 $0x0;
	s2 =	stileid.u32;
	v0 =	vmov s3;
	s3 =	simm.s32 $0x40  }
.LBB2_1:
0x71: {  	p0 =	sne.s32 s3, $0xFC0;
	[tilespmem:s4+$0x100] =	vst v0;
	s4 =	smov.u32 s3;
	s3 =	sadd.s32 $0x40, s3  }
.Ltmp0:
0x72: {  	(pc) =	sbr.rel @p0 .LBB2_1-.Ltmp0, $2  }
0x73: {  	_ =	sdelay $0x2  }
0x74: {  	s4 =	sshra.s32 s4, $0x2  }
0x75: {  	s3 =	sshll.u32 s2, $0x7;
	s29 =	simm.s32 $0x0  }
0x76: {  	[tilespmem:s4+$0x100] =	vst v0;
	s30 =	simm.s32 $0x100;
	s31 =	simm.s32 $0x1;
	s1 =	sadd.s32 s1, s3  }
0x77: {  	[hbm4b:s1+s29] =	stream.linear.scatter [tilespmem:s30], [sflag:$0x1], $0x400, $0x38;
	[tilespmem:$0x500] =	vst v63  }
0x78: {  	_ =	swait.ge [sflag:s31], $0x400  }
0x79: {  	[sflag:s31] =	ssyncset.done $0x0  }
0x7a: {  	[sflag:s31] =	ssyncadd.s32 $0xFFFFFC00  }
0x7b: {  	_ =	sfence.sel $0x180000  }
0x7c: {  	[bflag:$0x0] =	sbarrier.arrive $0xFFFF  }
0x7d: {  	p0 =	sne.s32 s2, $0x0;
	_ =	strace $0x90000047  }
0x7e: {  	s0 =	sadd.s32 @!p0 $0x100000, s0;
	[bflag:$0x2] =	sbarrier.arrive $0xFFFF  }
0x7f: {  	[sflag:s0] =	ssyncadd.tile.s32 @!p0 $0x1;
	_ =	shalt  }
.Lfunc_end2:
_tile_overlayer_lowered:
.L_overlay_start_2:
0x80: {  	(tag) =	ssettag $0x2  }
0x81: {  	s0 =	rddreg [dreg:$0x0];
	s2 =	stileid.u32  }
0x82: {  	s1 =	rddreg [dreg:$0x1];
	p0 =	sne.s32 s2, $0x0  }
0x83: {  	s3 =	rddreg [dreg:$0x2];
	[bflag:$0x3] =	sbarrier.arrive $0xFFFF;
	s2 =	simm.s32 @!p0 $0x1C02  }
0x84: {  	[timem:s3], [sflag:s2] =	dma.local @!p0 [hbm:s0], s1  }
0x85: {  	s0 =	simm.s32 @!p0 $0x2  }
0x86: {  	_ =	swait.ge @!p0 [sflag:s0], s1  }
0x87: {  	s1 =	ssub.s32 @!p0 $0x0, s1;
	[sflag:s0] =	ssyncset.done @!p0 $0x0  }
0x88: {  	[sflag:s0] =	ssyncadd.s32 @!p0 s1  }
0x89: {  	[bflag:$0x3] =	sbarrier.arrive $0xFFFF  }
0x8a: {  	_ =	shalt  }

</sc_bundles>
